<compile_context>
chip_gen: v7x
topology: tpu7x:2x2x1
jax: 0.10.2.dev20260603
libtpu: 0.0.44.dev20260713+nightly
codegen_flags: <defaults>
</compile_context>

<pallas_src>
import jax
import jax.numpy as jnp
from jax.experimental import pallas as pl
from jax.experimental.pallas import tpu as pltpu

B, L, V, E, H = 1024, 50, 1000000, 64, 64
G4 = 4 * H


def _lstm_body(e_ref, wih_ref, whh_ref, b_ref, out_ref, h_ref, c_ref):
    t = pl.program_id(0)

    @pl.when(t == 0)
    def _():
        h_ref[...] = jnp.zeros((H, B), jnp.float32)
        c_ref[...] = jnp.zeros((H, B), jnp.float32)

    h = h_ref[...].astype(jnp.bfloat16)
    c = c_ref[...]
    et = e_ref[...].astype(jnp.bfloat16)

    gates = (
        jnp.dot(wih_ref[...], et, preferred_element_type=jnp.float32)
        + jnp.dot(whh_ref[...], h, preferred_element_type=jnp.float32)
        + b_ref[...]
    )

    def sig(z):
        return 0.5 * jnp.tanh(0.5 * z) + 0.5

    i = sig(gates[0 * H : 1 * H])
    f = sig(gates[1 * H : 2 * H])
    g = jnp.tanh(gates[2 * H : 3 * H])
    o = sig(gates[3 * H : 4 * H])
    c = f * c + i * g
    h = o * jnp.tanh(c)
    h_ref[...] = h
    c_ref[...] = c
    out_ref[...] = h.reshape(1, H, B)


def _lstm_tc(e_t, wih, whh, bias2):
    return pl.pallas_call(
        _lstm_body,
        grid=(L,),
        in_specs=[
            pl.BlockSpec((E, B), lambda t: (0, t)),
            pl.BlockSpec((G4, E), lambda t: (0, 0)),
            pl.BlockSpec((G4, H), lambda t: (0, 0)),
            pl.BlockSpec((G4, 1), lambda t: (0, 0)),
        ],
        out_specs=pl.BlockSpec((1, H, B), lambda t: (t, 0, 0)),
        out_shape=jax.ShapeDtypeStruct((L, H, B), jnp.float32),
        scratch_shapes=[
            pltpu.VMEM((H, B), jnp.float32),
            pltpu.VMEM((H, B), jnp.float32),
        ],
    )(e_t, wih, whh, bias2)


def kernel(x, emb, W_ih, W_hh, b_ih, b_hh):
    eT = jnp.take(emb.T, x.T.reshape(-1), axis=1)
    bias2 = (b_ih + b_hh).reshape(G4, 1)
    wih16 = W_ih.astype(jnp.bfloat16)
    whh16 = W_hh.astype(jnp.bfloat16)
    o = _lstm_tc(eT, wih16, whh16, bias2)
    return o.transpose(2, 0, 1)

# --- scband reference (transcript-rebuilt; emitter-appended) ---
"""Pipeline reference for scband-dummy-word-lang-model-64922725646700 (READ-ONLY COPY).

The authoritative reference and input builder live on the scoring server;
editing this copy changes nothing except your own understanding.
"""

import jax, jax.numpy as jnp
import numpy as np

B, L, V, E, H = 1024, 50, 1000000, 64, 64

def setup_inputs(seed: int = 0) -> dict:
    key = jax.random.key(seed)
    k1, k2, k3, k4 = jax.random.split(key, 4)
    x = jax.random.randint(k1, (B, L), 0, V)
    emb = jax.random.normal(k2, (V, E), dtype=jnp.float32) * 0.02
    W_ih = jax.random.normal(k3, (4 * H, E), dtype=jnp.float32) * 0.05
    W_hh = jax.random.normal(k4, (4 * H, H), dtype=jnp.float32) * 0.05
    b_ih = jnp.zeros((4 * H,), dtype=jnp.float32)
    b_hh = jnp.zeros((4 * H,), dtype=jnp.float32)
    return {"x": x, "emb": emb, "W_ih": W_ih, "W_hh": W_hh, "b_ih": b_ih, "b_hh": b_hh}

def _lstm(e, W_ih, W_hh, b_ih, b_hh):
    # e: [B, L, E]; PyTorch LSTM gate order i, f, g, o
    Bq, Lq, _ = e.shape
    Hq = W_hh.shape[1]
    def step(carry, xt):
        h, c = carry
        gates = xt @ W_ih.T + h @ W_hh.T + b_ih + b_hh
        i, f, g, o = jnp.split(gates, 4, axis=-1)
        i = jax.nn.sigmoid(i)
        f = jax.nn.sigmoid(f)
        g = jnp.tanh(g)
        o = jax.nn.sigmoid(o)
        c = f * c + i * g
        h = o * jnp.tanh(c)
        return (h, c), h
    h0 = jnp.zeros((Bq, Hq), dtype=e.dtype)
    c0 = jnp.zeros((Bq, Hq), dtype=e.dtype)
    xs = jnp.swapaxes(e, 0, 1)  # [L, B, E]
    (_, _), ys = jax.lax.scan(step, (h0, c0), xs)
    return jnp.swapaxes(ys, 0, 1)  # [B, L, H]

def reference(x, emb, W_ih, W_hh, b_ih, b_hh):
    # embedding lookup (SparseCore gather) followed by LSTM (batch_first=True)
    e = jnp.take(emb, x, axis=0)  # [B, L, E]
    return _lstm(e, W_ih, W_hh, b_ih, b_hh)

if __name__ == "__main__":
    import jax
    _d = setup_inputs()
    print(jax.jit(kernel)(*tuple(_d.values())))

</pallas_src>

<mosaic_0001>
module attributes {stable_mosaic.version = 14 : i64} {
  func.func @_lstm_body(%arg0: i32, %arg1: memref<64x1024xf32, #tpu.memory_space<vmem>>, %arg2: memref<256x64xbf16, #tpu.memory_space<vmem>>, %arg3: memref<256x64xbf16, #tpu.memory_space<vmem>>, %arg4: memref<256x1xf32, #tpu.memory_space<vmem>>, %arg5: memref<1x64x1024xf32, #tpu.memory_space<vmem>>, %arg6: memref<64x1024xf32, #tpu.memory_space<vmem>>, %arg7: memref<64x1024xf32, #tpu.memory_space<vmem>>) attributes {dimension_semantics = [#tpu.dimension_semantics<arbitrary>], iteration_bounds = array<i64: 50>, scalar_prefetch = 0 : i64, scratch_operands = 2 : i64, tpu.core_type = #tpu.core_type<tc>, window_params = [{transform_indices = @transform_0, window_bounds = array<i64: 64, 1024>}, {pipeline_mode = #tpu.pipeline_mode<synchronous>, transform_indices = @transform_1, window_bounds = array<i64: 256, 64>}, {pipeline_mode = #tpu.pipeline_mode<synchronous>, transform_indices = @transform_2, window_bounds = array<i64: 256, 64>}, {pipeline_mode = #tpu.pipeline_mode<synchronous>, transform_indices = @transform_3, window_bounds = array<i64: 256, 1>}, {transform_indices = @transform_4, window_bounds = array<i64: 1, 64, 1024>}]} {
    %eq3A = arith.constant 0 : i32
    %eq3A_0 = arith.cmpi eq, %arg0, %eq3A : i32
    %convert_element_type3A = arith.extui %eq3A_0 : i1 to i32
    %cond3A = arith.constant 0 : i32
    %cond3A_1 = arith.cmpi ne, %convert_element_type3A, %cond3A : i32
    scf.if %cond3A_1 {
      %broadcast_in_dim3A = arith.constant 0.000000e+00 : f32
      %broadcast_in_dim3A_72 = vector.broadcast %broadcast_in_dim3A : f32 to vector<64x1024xf32>
      %swap3A_73 = arith.constant 0 : index
      %swap3A_74 = arith.constant 0 : index
      %swap3A_75 = vector.load %arg6[%swap3A_73, %swap3A_74] : memref<64x1024xf32, #tpu.memory_space<vmem>>, vector<64x1024xf32>
      tpu.vector_store %arg6[%swap3A_73, %swap3A_74], %broadcast_in_dim3A_72 {strides = array<i32>} : memref<64x1024xf32, #tpu.memory_space<vmem>>, vector<64x1024xf32>,
      %broadcast_in_dim3A_76 = arith.constant 0.000000e+00 : f32
      %broadcast_in_dim3A_77 = vector.broadcast %broadcast_in_dim3A_76 : f32 to vector<64x1024xf32>
      %swap3A_78 = arith.constant 0 : index
      %swap3A_79 = arith.constant 0 : index
      %swap3A_80 = vector.load %arg7[%swap3A_78, %swap3A_79] : memref<64x1024xf32, #tpu.memory_space<vmem>>, vector<64x1024xf32>
      tpu.vector_store %arg7[%swap3A_78, %swap3A_79], %broadcast_in_dim3A_77 {strides = array<i32>} : memref<64x1024xf32, #tpu.memory_space<vmem>>, vector<64x1024xf32>,
    } else {
    }
    %get3A = arith.constant 0 : index
    %get3A_2 = arith.constant 0 : index
    %get3A_3 = vector.load %arg6[%get3A, %get3A_2] : memref<64x1024xf32, #tpu.memory_space<vmem>>, vector<64x1024xf32>
    %convert_element_type3A_4 = arith.truncf %get3A_3 : vector<64x1024xf32> to vector<64x1024xbf16>
    %get3A_5 = arith.constant 0 : index
    %get3A_6 = arith.constant 0 : index
    %get3A_7 = vector.load %arg7[%get3A_5, %get3A_6] : memref<64x1024xf32, #tpu.memory_space<vmem>>, vector<64x1024xf32>
    %get3A_8 = arith.constant 0 : index
    %get3A_9 = arith.constant 0 : index
    %get3A_10 = vector.load %arg1[%get3A_8, %get3A_9] : memref<64x1024xf32, #tpu.memory_space<vmem>>, vector<64x1024xf32>
    %convert_element_type3A_11 = arith.truncf %get3A_10 : vector<64x1024xf32> to vector<64x1024xbf16>
    %get3A_12 = arith.constant 0 : index
    %get3A_13 = arith.constant 0 : index
    %get3A_14 = vector.load %arg2[%get3A_12, %get3A_13] : memref<256x64xbf16, #tpu.memory_space<vmem>>, vector<256x64xbf16>
    %dot_general3A = arith.constant dense<0.000000e+00> : vector<256x1024xf32>
    %dot_general3A_15 = tpu.matmul %get3A_14, %convert_element_type3A_11, %dot_general3A {dimension_numbers = #tpu.dot_dimension_numbers<[1], [0], [0], [1], [0, 0, 1, 1], [], []>, transpose_lhs_hint = false} : vector<256x64xbf16>, vector<64x1024xbf16>, vector<256x1024xf32> -> vector<256x1024xf32>
    %get3A_16 = arith.constant 0 : index
    %get3A_17 = arith.constant 0 : index
    %get3A_18 = vector.load %arg3[%get3A_16, %get3A_17] : memref<256x64xbf16, #tpu.memory_space<vmem>>, vector<256x64xbf16>
    %dot_general3A_19 = arith.constant dense<0.000000e+00> : vector<256x1024xf32>
    %dot_general3A_20 = tpu.matmul %get3A_18, %convert_element_type3A_4, %dot_general3A_19 {dimension_numbers = #tpu.dot_dimension_numbers<[1], [0], [0], [1], [0, 0, 1, 1], [], []>, transpose_lhs_hint = false} : vector<256x64xbf16>, vector<64x1024xbf16>, vector<256x1024xf32> -> vector<256x1024xf32>
    %add3A = arith.addf %dot_general3A_15, %dot_general3A_20 : vector<256x1024xf32>
    %get3A_21 = arith.constant 0 : index
    %get3A_22 = arith.constant 0 : index
    %get3A_23 = vector.load %arg4[%get3A_21, %get3A_22] : memref<256x1xf32, #tpu.memory_space<vmem>>, vector<256x1xf32>
    %add3A_24 = vector.broadcast %get3A_23 : vector<256x1xf32> to vector<256x1024xf32>
    %add3A_25 = arith.addf %add3A, %add3A_24 : vector<256x1024xf32>
    %slice3A = vector.extract_strided_slice %add3A_25 {offsets = [0, 0], sizes = [64, 1024], strides = [1, 1]} : vector<256x1024xf32> to vector<64x1024xf32>
    %mul3A = arith.constant 5.000000e-01 : f32
    %mul3A_26 = vector.broadcast %mul3A : f32 to vector<64x1024xf32>
    %mul3A_27 = arith.mulf %mul3A_26, %slice3A : vector<64x1024xf32>
    %tanh3A = math.tanh %mul3A_27 : vector<64x1024xf32>
    %mul3A_28 = arith.constant 5.000000e-01 : f32
    %mul3A_29 = vector.broadcast %mul3A_28 : f32 to vector<64x1024xf32>
    %mul3A_30 = arith.mulf %mul3A_29, %tanh3A : vector<64x1024xf32>
    %add3A_31 = arith.constant 5.000000e-01 : f32
    %add3A_32 = vector.broadcast %add3A_31 : f32 to vector<64x1024xf32>
    %add3A_33 = arith.addf %mul3A_30, %add3A_32 : vector<64x1024xf32>
    %slice3A_34 = vector.extract_strided_slice %add3A_25 {offsets = [64, 0], sizes = [64, 1024], strides = [1, 1]} : vector<256x1024xf32> to vector<64x1024xf32>
    %mul3A_35 = arith.constant 5.000000e-01 : f32
    %mul3A_36 = vector.broadcast %mul3A_35 : f32 to vector<64x1024xf32>
    %mul3A_37 = arith.mulf %mul3A_36, %slice3A_34 : vector<64x1024xf32>
    %tanh3A_38 = math.tanh %mul3A_37 : vector<64x1024xf32>
    %mul3A_39 = arith.constant 5.000000e-01 : f32
    %mul3A_40 = vector.broadcast %mul3A_39 : f32 to vector<64x1024xf32>
    %mul3A_41 = arith.mulf %mul3A_40, %tanh3A_38 : vector<64x1024xf32>
    %add3A_42 = arith.constant 5.000000e-01 : f32
    %add3A_43 = vector.broadcast %add3A_42 : f32 to vector<64x1024xf32>
    %add3A_44 = arith.addf %mul3A_41, %add3A_43 : vector<64x1024xf32>
    %slice3A_45 = vector.extract_strided_slice %add3A_25 {offsets = [128, 0], sizes = [64, 1024], strides = [1, 1]} : vector<256x1024xf32> to vector<64x1024xf32>
    %tanh3A_46 = math.tanh %slice3A_45 : vector<64x1024xf32>
    %slice3A_47 = vector.extract_strided_slice %add3A_25 {offsets = [192, 0], sizes = [64, 1024], strides = [1, 1]} : vector<256x1024xf32> to vector<64x1024xf32>
    %mul3A_48 = arith.constant 5.000000e-01 : f32
    %mul3A_49 = vector.broadcast %mul3A_48 : f32 to vector<64x1024xf32>
    %mul3A_50 = arith.mulf %mul3A_49, %slice3A_47 : vector<64x1024xf32>
    %tanh3A_51 = math.tanh %mul3A_50 : vector<64x1024xf32>
    %mul3A_52 = arith.constant 5.000000e-01 : f32
    %mul3A_53 = vector.broadcast %mul3A_52 : f32 to vector<64x1024xf32>
    %mul3A_54 = arith.mulf %mul3A_53, %tanh3A_51 : vector<64x1024xf32>
    %add3A_55 = arith.constant 5.000000e-01 : f32
    %add3A_56 = vector.broadcast %add3A_55 : f32 to vector<64x1024xf32>
    %add3A_57 = arith.addf %mul3A_54, %add3A_56 : vector<64x1024xf32>
    %mul3A_58 = arith.mulf %add3A_44, %get3A_7 : vector<64x1024xf32>
    %mul3A_59 = arith.mulf %add3A_33, %tanh3A_46 : vector<64x1024xf32>
    %add3A_60 = arith.addf %mul3A_58, %mul3A_59 : vector<64x1024xf32>
    %tanh3A_61 = math.tanh %add3A_60 : vector<64x1024xf32>
    %mul3A_62 = arith.mulf %add3A_57, %tanh3A_61 : vector<64x1024xf32>
    %swap3A = arith.constant 0 : index
    %swap3A_63 = arith.constant 0 : index
    %swap3A_64 = vector.load %arg6[%swap3A, %swap3A_63] : memref<64x1024xf32, #tpu.memory_space<vmem>>, vector<64x1024xf32>
    tpu.vector_store %arg6[%swap3A, %swap3A_63], %mul3A_62 {strides = array<i32>} : memref<64x1024xf32, #tpu.memory_space<vmem>>, vector<64x1024xf32>,
    %swap3A_65 = arith.constant 0 : index
    %swap3A_66 = arith.constant 0 : index
    %swap3A_67 = vector.load %arg7[%swap3A_65, %swap3A_66] : memref<64x1024xf32, #tpu.memory_space<vmem>>, vector<64x1024xf32>
    tpu.vector_store %arg7[%swap3A_65, %swap3A_66], %add3A_60 {strides = array<i32>} : memref<64x1024xf32, #tpu.memory_space<vmem>>, vector<64x1024xf32>,
    %reshape3A = vector.shape_cast %mul3A_62 : vector<64x1024xf32> to vector<1x64x1024xf32>
    %swap3A_68 = arith.constant 0 : index
    %swap3A_69 = arith.constant 0 : index
    %swap3A_70 = arith.constant 0 : index
    %swap3A_71 = vector.load %arg5[%swap3A_68, %swap3A_69, %swap3A_70] : memref<1x64x1024xf32, #tpu.memory_space<vmem>>, vector<1x64x1024xf32>
    tpu.vector_store %arg5[%swap3A_68, %swap3A_69, %swap3A_70], %reshape3A {strides = array<i32>} : memref<1x64x1024xf32, #tpu.memory_space<vmem>>, vector<1x64x1024xf32>,
    return
  }
  func.func @transform_0(%arg0: i32) -> (i32, i32) {
    %c0_i32 = arith.constant 0 : i32
    %c0_i32_0 = arith.constant 0 : i32
    return %c0_i32, %arg0 : i32, i32
  }
  func.func @transform_1(%arg0: i32) -> (i32, i32) {
    %c0_i32 = arith.constant 0 : i32
    %c0_i32_0 = arith.constant 0 : i32
    %c0_i32_1 = arith.constant 0 : i32
    return %c0_i32, %c0_i32_0 : i32, i32
  }
  func.func @transform_2(%arg0: i32) -> (i32, i32) {
    %c0_i32 = arith.constant 0 : i32
    %c0_i32_0 = arith.constant 0 : i32
    %c0_i32_1 = arith.constant 0 : i32
    return %c0_i32, %c0_i32_0 : i32, i32
  }
  func.func @transform_3(%arg0: i32) -> (i32, i32) {
    %c0_i32 = arith.constant 0 : i32
    %c0_i32_0 = arith.constant 0 : i32
    %c0_i32_1 = arith.constant 0 : i32
    return %c0_i32, %c0_i32_0 : i32, i32
  }
  func.func @transform_4(%arg0: i32) -> (i32, i32, i32) {
    %c0_i32 = arith.constant 0 : i32
    %c0_i32_0 = arith.constant 0 : i32
    %c0_i32_1 = arith.constant 0 : i32
    return %arg0, %c0_i32, %c0_i32_0 : i32, i32, i32
  }
}

</mosaic_0001>

<sc_bundles>
// kernel: gather_offload_async_start
scs
__scs_entry_jumppad:
0x0: {  	(pc) =	sbr.rel $0x88, $3  }
0x1: {  	(tag) =	ssettag $0x0;
	lr =	simm.s32 $0x1  }
0x2: {  	[smem:$0x3F9B] =	sst lr;
	_ =	strace $0xD0000000  }
0x3: {  	_ = 	snop  }
0x4: {  	_ = 	snop  }
0x5: {  	_ = 	snop  }
0x6: {  	_ = 	snop  }
0x7: {  	_ = 	snop  }
__scs_overlays_trampoline_lowered:
0x8: {  	[smem:$0x3FAA] =	sst s0  }
0x9: {  	[smem:$0x3FAB] =	sst s1  }
0xa: {  	[smem:$0x3FAC] =	sst s2  }
0xb: {  	[smem:$0x3FAD] =	sst s3  }
0xc: {  	[smem:$0x3FAE] =	sst s4  }
0xd: {  	[smem:$0x3FAF] =	sst s5  }
0xe: {  	[smem:$0x3FB0] =	sst s6  }
0xf: {  	[smem:$0x3FB1] =	sst s7  }
0x10: {  	[smem:$0x3FB2] =	sst s8  }
0x11: {  	[smem:$0x3FB3] =	sst s9;
	s0 =	simm.s32 @!p0 $0x0  }
0x12: {  	s1 =	sld [smem:$0x3F99];
	s0 =	simm.s32 @p0 $0x1  }
0x13: {  	[smem:$0x3FB4] =	sst s0;
	s0 =	simm.s32 @!p1 $0x0  }
0x14: {  	s2 =	sld [smem:$0x3F98];
	s0 =	simm.s32 @p1 $0x1  }
0x15: {  	[smem:$0x3FB5] =	sst s0;
	s0 =	simm.s32 @!p2 $0x0  }
0x16: {  	s3 =	sld [smem:$0x3FDB];
	s0 =	simm.s32 @p2 $0x1  }
0x17: {  	s4 =	simm.s32 $0x1BF5;
	[smem:$0x3FB7] =	sst s0  }
0x18: {  	s0 =	sld [smem:$0x3F9A];
	_ =	swait.ge [sflag:s4], $0x0  }
0x19: {  	s7 =	sld [smem:$0x3F9B]  }
0x1a: {  	s8 =	sadd.s32 $0xFFFFE003, lr  }
0x1b: {  	s9 =	sadd.s32 $0xFFFFFEF7, lr;
	s5 =	simm.s32 $0xFFFFFFFF;
	p2 =	slt.u32 s8, $0xFFFFF086  }
0x1c: {  	p1 =	slt.u32 s9, $0xF7A;
	s5 =	simm.s32 @!p2 $0x0  }
0x1d: {  	s5 =	simm.s32 @p1 $0x1;
	p0 =	seq.s32 s7, s2  }
0x1e: {  	s7 =	smul.u32 @!p0 $0xF7A, s2;
	p2 =	seq.s32 @!p0 s5, $0x0  }
0x1f: {  	s9 =	smul.u32 $0xF7A, s1;
	s8 =	simm.s32 @!p0 $0x1BF5;
	p2 =	por !p2, p0  }
0x20: {  	[sflag:s8] =	ssyncset.s32 @!p0 $0xFFFFF086;
	s6 =	sadd.s32 @!p0 s3, s7;
	s7 =	simm.s32 @!p0 $0x108  }
0x21: {  	s3 =	sadd.s32 s3, s9;
	s6 =	sadd.s32 @!p0 $0x88, s6;
	s7 =	simm.s32 @p2 $0x1082  }
0x22: {  	[simem:s7], [sflag:s8] =	dma.local @!p0 [hbm:s6], $0xF7A  }
0x23: {  	s9 =	sor.u32 $0xD0000000, s2;
	s6 =	simm.s32 $0x108;
	_ =	swait.ge @!p0 [sflag:s8], $0x0  }
0x24: {  	s3 =	sadd.s32 $0x88, s3;
	s6 =	simm.s32 @!p1 $0x1082;
	[sflag:s4] =	ssyncset.s32 $0xFFFFF086  }
0x25: {  	[simem:s6], [sflag:s4] =	dma.local [hbm:s3], $0xF7A  }
0x26: {  	[smem:$0x3F9B] =	sst s1;
	(tag) =	ssettag s2;
	_ =	strace s9  }
0x27: {  	s1 =	sld [smem:$0x3FAB]  }
0x28: {  	s2 =	sld [smem:$0x3FAC]  }
0x29: {  	s4 =	sld [smem:$0x3FAE]  }
0x2a: {  	p0 =	seq.s32 s5, $0x0;
	s5 =	sld [smem:$0x3FAF]  }
0x2b: {  	s6 =	sld [smem:$0x3FB0]  }
0x2c: {  	s7 =	sld [smem:$0x3FB1]  }
0x2d: {  	s3 =	simm.s32 $0x108;
	s8 =	sld [smem:$0x3FB2]  }
0x2e: {  	s3 =	simm.s32 @!p0 $0x1082;
	s9 =	sld [smem:$0x3FB3]  }
0x2f: {  	lr =	sadd.s32 s0, s3;
	s0 =	sld [smem:$0x3FAA]  }
0x30: {  	s3 =	sld [smem:$0x3FAD]  }
0x31: {  	[smem:$0x3FB6] =	sst s10  }
0x32: {  	s10 =	sld [smem:$0x3FB4];
	_ =	sdelay $0x3  }
0x33: {  	p0 =	seq.s32 s10, $0x1;
	s10 =	sld [smem:$0x3FB6];
	_ =	sdelay $0x3  }
0x34: {  	[smem:$0x3FB6] =	sst s10  }
0x35: {  	s10 =	sld [smem:$0x3FB5];
	_ =	sdelay $0x3  }
0x36: {  	p1 =	seq.s32 s10, $0x1;
	s10 =	sld [smem:$0x3FB6];
	_ =	sdelay $0x3  }
0x37: {  	[smem:$0x3FB6] =	sst s10  }
0x38: {  	s10 =	sld [smem:$0x3FB7]  }
0x39: {  	_ = 	snop;
	(pc) =	sbr.ind lr, $3  }
0x3a: {  	_ = 	snop  }
0x3b: {  	_ = 	snop  }
0x3c: {  	p2 =	seq.s32 s10, $0x1;
	s10 =	sld [smem:$0x3FB6]  }
0x3d: {  	_ =	shalt  }
0x3e: {  	_ =	shalt  }
0x3f: {  	_ =	shalt  }
0x40: {  	_ =	shalt  }
0x41: {  	_ =	shalt  }
0x42: {  	_ =	shalt  }
0x43: {  	_ =	shalt  }
0x44: {  	_ =	shalt  }
0x45: {  	_ =	shalt  }
0x46: {  	_ =	shalt  }
0x47: {  	_ =	shalt  }
0x48: {  	_ =	shalt  }
0x49: {  	_ =	shalt  }
0x4a: {  	_ =	shalt  }
0x4b: {  	_ =	shalt  }
0x4c: {  	_ =	shalt  }
0x4d: {  	_ =	shalt  }
0x4e: {  	_ =	shalt  }
0x4f: {  	_ =	shalt  }
0x50: {  	_ =	shalt  }
0x51: {  	_ =	shalt  }
0x52: {  	_ =	shalt  }
0x53: {  	_ =	shalt  }
0x54: {  	_ =	shalt  }
0x55: {  	_ =	shalt  }
0x56: {  	_ =	shalt  }
0x57: {  	_ =	shalt  }
0x58: {  	_ =	shalt  }
0x59: {  	_ =	shalt  }
0x5a: {  	_ =	shalt  }
0x5b: {  	_ =	shalt  }
0x5c: {  	_ =	shalt  }
0x5d: {  	_ =	shalt  }
0x5e: {  	_ =	shalt  }
0x5f: {  	_ =	shalt  }
0x60: {  	_ =	shalt  }
0x61: {  	_ =	shalt  }
0x62: {  	_ =	shalt  }
0x63: {  	_ =	shalt  }
0x64: {  	_ =	shalt  }
0x65: {  	_ =	shalt  }
0x66: {  	_ =	shalt  }
0x67: {  	_ =	shalt  }
0x68: {  	_ =	shalt  }
0x69: {  	_ =	shalt  }
0x6a: {  	_ =	shalt  }
0x6b: {  	_ =	shalt  }
0x6c: {  	_ =	shalt  }
0x6d: {  	_ =	shalt  }
0x6e: {  	_ =	shalt  }
0x6f: {  	_ =	shalt  }
0x70: {  	_ =	shalt  }
0x71: {  	_ =	shalt  }
0x72: {  	_ =	shalt  }
0x73: {  	_ =	shalt  }
0x74: {  	_ =	shalt  }
0x75: {  	_ =	shalt  }
0x76: {  	_ =	shalt  }
0x77: {  	_ =	shalt  }
0x78: {  	_ =	shalt  }
0x79: {  	_ =	shalt  }
0x7a: {  	_ =	shalt  }
0x7b: {  	_ =	shalt  }
0x7c: {  	_ =	shalt  }
0x7d: {  	_ =	shalt  }
0x7e: {  	_ =	shalt  }
0x7f: {  	_ =	shalt  }
0x80: {  	_ =	shalt  }
0x81: {  	_ =	shalt  }
0x82: {  	_ =	shalt  }
0x83: {  	_ =	shalt  }
0x84: {  	_ =	shalt  }
0x85: {  	_ =	shalt  }
0x86: {  	_ =	shalt  }
0x87: {  	_ =	shalt  }
.Lfunc_end0:
.L_simem_size_0:
called_computation_lowered:
.L_overlay_start_0:
0x88: {  	s2 =	sld [smem:$0x3FD9]  }
0x89: {  	s3 =	sld [smem:$0x3FFE];
	_ =	sdelay $0x1  }
0x8a: {  	s1 =	srdreg.scid  }
0x8b: {  	s0 =	sand.u32 $0x1, s1  }
0x8c: {  	s17 =	sshll.u32 s0, $0xA;
	s2 =	sadd.s32 s3, s2  }
0x8d: {  	s2 =	sadd.s32 s2, s17  }
0x8e: {  	[smem:$0x3FC2] =	sst s2  }
0x8f: {  	_ = 	snop  }
0x90: {  	s2 =	sld [smem:$0x3FD0];
	(tm) =	ssettm $0x1  }
0x91: {  	s18 =	sld [smem:$0x3FFB];
	_ =	sdelay $0x3  }
0x92: {  	_ =	strace s18  }
0x93: {  	s3 =	sld [smem:$0x3FFC];
	_ =	sdelay $0x3  }
0x94: {  	_ =	strace s3  }
0x95: {  	s3 =	sld [smem:$0x3FFD];
	_ =	sdelay $0x3  }
0x96: {  	_ =	strace s3  }
0x97: {  	_ =	strace $0x8FFFFFFF  }
0x98: {  	s19 =	sld [smem:$0x3FDB];
	_ =	sdelay $0x1  }
0x99: {  	s4 =	simm.s32 $_scs_section_size  }
0x9a: {  	s5 =	simm.s32 $_size__tile_overlayer_lowered;
	s6 =	simm.s32 $_tile_overlayer_lowered  }
0x9b: {  	s22 =	simm.s32 $0x1BFF;
	s21 =	sshll.u32 s6, $0x1;
	s3 =	sadd.s32 s4, s19  }
0x9c: {  	s7 =	simm.s32 $0x0;
	s20 =	sshll.u32 s5, $0x1;
	s5 =	sadd.s32 s21, s3  }
0x9d: {  	[timem:s7], [sflag:s22] =	dma.local [hbm:s5], s20  }
0x9e: {  	_ =	swait.ge [sflag:s22], s20  }
0x9f: {  	s4 =	ssub.s32 $0x0, s20;
	[sflag:s22] =	ssyncset.done $0x0  }
0xa0: {  	[sflag:s22] =	ssyncadd.s32 s4;
	_ =	sdelay $0x1  }
0xa1: {  	s23 =	simm.s32 $0x1B8B  }
0xa2: {  	_ =	swait.ge [sflag:s23], $0x1  }
0xa3: {  	[sflag:s23] =	ssyncset.done $0x0  }
0xa4: {  	s25 =	simm.s32 $0x1B8E;
	s24 =	sld [smem:$0x3FFE];
	[sflag:s23] =	ssyncadd.s32 $0xFFFFFFFF  }
0xa5: {  	s26 =	simm.s32 $execute0_lowered;
	[smem:$0x3FD2] =	sst s25  }
0xa6: {  	s5 =	sshll.u32 s26, $0x1;
	_ =	strace $0x80000046;
	[dreg:$0x1] =	wrdreg $0xFFFFFFFF  }
0xa7: {  	s28 =	simm.s32 $_size_execute0_lowered;
	s3 =	sadd.s32 s3, s5;
	[dreg:$0x0] =	wrdreg $0x0  }
0xa8: {  	s5 =	sshll.u32 s28, $0x1;
	[dreg:$0x2] =	wrdreg s3  }
0xa9: {  	[dreg:$0x3] =	wrdreg s5  }
0xaa: {  	[dreg:$0x4] =	wrdreg $0xC0  }
0xab: {  	_ =	task [dreg:s7], $0x5FFFF  }
0xac: {  	[dreg:$0x1] =	wrdreg $0xFFFFFFFF  }
0xad: {  	[dreg:$0x0] =	wrdreg $0x60  }
0xae: {  	[dreg:$0x2] =	wrdreg s24  }
0xaf: {  	[dreg:$0x3] =	wrdreg s2  }
0xb0: {  	[dreg:$0x4] =	wrdreg $0x9  }
0xb1: {  	_ =	task.clear_ibuf [dreg:s7], $0x5FFFF;
	_ =	strace $0x90000046  }
0xb2: {  	s29 =	simm.s32 $0x9;
	_ =	strace $0x80000048  }
0xb3: {  	_ =	swait.ge [sflag:s29], $0x1  }
0xb4: {  	[sflag:s29] =	ssyncadd.s32 $0xFFFFFFFF  }
0xb5: {  	_ =	strace $0x90000048  }
0xb6: {  	_ =	sfence  }
0xb7: {  	s30 =	sld [smem:$0x0];
	_ =	sdelay $0x2  }
0xb8: {  	s31 =	sshll.u32 s1, $0xD;
	s1 =	sshrl.u32 s1, $0x2  }
0xb9: {  	s3 =	sand.u32 $0x4000, s31;
	s1 =	sadd.s32 s1, s30  }
0xba: {  	s0 =	sor.u32 s3, s0;
	s1 =	sshll.u32 s1, $0x11  }
0xbb: {  	s0 =	sor.u32 s1, s0  }
0xbc: {  	s0 =	sadd.s32 $0x8F2B, s0  }
0xbd: {  	[sflag:s0] =	ssyncadd.remote.s32 $0x1  }
0xbe: {  	_ =	sfence.sel $0xFFFF  }
0xbf: {  	[dreg:$0x0] =	wrdreg $0xFFFFFFFF;
	(pc) =	sbr.abs _section_cstart, $3  }
0xc0: {  	[dreg:$0x1] =	wrdreg $0xFFFFFFFF  }
0xc1: {  	_ =	task.clear_ibuf [dreg:s7], $0x2FFFF;
	_ =	strace $0x9FFFFFFF  }
0xc2: {  	(tm) =	ssettm $0x7FFFFFFF  }
0xc3: {  	_ =	shalt  }
tec
execute0_lowered:
.L_overlay_start_1:
0x0: {  	(tag) =	ssettag $0x1  }
0x1: {  	s7 =	rddreg [dreg:$0x0]  }
0x2: {  	s0 =	srdreg.scid;
	s2 =	rddreg [dreg:$0x1]  }
0x3: {  	s1 =	stileid.u32;
	s5 =	simm.s32 $0x2;
	s9 =	simm.s32 $0x3  }
0x4: {  	s3 =	sshll.u32 s0, $0x4;
	s0 =	rddreg [dreg:$0x2];
	_ =	strace $0x80000047  }
.Ltmp0:
0x5: {  	s4 =	sand.u32 $0x10, s3;
	s3 =	simm.s32 $0x1;
	(pc) =	sbr.rel .LBB2_1-.Ltmp0, $4  }
0x6: {  	s11 =	simm.s32 $0x0;
	s4 =	sor.u32 s1, s4;
	[sflag:s3] =	ssyncpa.u1 $0x0  }
0x7: {  	p0 =	por $0x0, $0x0;
	s4 =	smul.u32 $0x640, s4;
	[sflag:s5] =	ssyncpa.u1 $0x0  }
0x8: {  	s6 =	sadd.s32 $0xE00, s7;
	s7 =	sadd.s32 $0xF43200, s7;
	[sflag:s9] =	ssyncpa.u1 $0x0  }
0x9: {  	vm0 =	vmmov $0xff;
	vm1 =	vcmask $0x3F20;
	s9 =	simm.s32 $0x0;
	s8 =	sadd.s32 $0x640, s4;
	s10 =	smov.u32 s4  }
.LBB2_6:
0xa: {  	[hbm:s15] =	stream.linear.scatter [tilespmem:s12], [sflag:$0x3], $0x400, $0x38;
	[tilespmem:$0x14280] =	vst v63  }
.LBB2_7:
0xb: {  	p1 =	slt.u32 s9, $0x2;
	s11 =	sadd.s32 $0x140, s10  }
0xc: {  	s13 =	smov.u32 s4;
	s9 =	sadd.s32 $0x1, s9;
	p2 =	slt.s32 s11, s8  }
0xd: {  	s13 =	smov.u32 @p2 s11;
	p2 =	sne.s32 s9, $0x7  }
.Ltmp1:
0xe: {  	_ = 	snop;
	(pc) =	sbr.rel @!p2 .LBB2_8-.Ltmp1, $4  }
0xf: {  	s12 =	simm.s32 @!p1 $0x3  }
0x10: {  	_ =	swait.ge @!p1 [sflag:s12], $0xA000  }
0x11: {  	p0 =	por !p0, !p0;
	[sflag:s12] =	ssyncset.done @!p1 $0x0  }
0x12: {  	s11 =	smov.u32 s10;
	s10 =	smov.u32 s13;
	[sflag:s12] =	ssyncadd.s32 @!p1 $0xFFFF6000  }
.LBB2_1:
0x13: {  	p1 =	sgt.u32 s9, $0x4  }
0x14: {  	s12 =	sxor.u32 @!p1 $0xFFFFFFFF, s9  }
0x15: {  	s12 =	sand.u32 @!p1 $0x1, s12  }
0x16: {  	s12 =	smul.u32 @!p1 $0x500, s12  }
0x17: {  	s31 =	sadd.s32 $0xFFFFFFFF, s9;
	s13 =	sshrl.u32 @!p1 s10, $0x3  }
0x18: {  	s14 =	sand.u32 @!p1 $0x7, s10;
	s13 =	sadd.s32 @!p1 s2, s13;
	s12 =	sshrl.u32 @!p1 s12, $0x2  }
0x19: {  	[tilespmem:s12], [sflag:$0x2] =	stream.linear.gather @!p1 [hbm4b:s13+s14], $0x140, $0x38;
	[tilespmem:$0x14280] =	vst v63  }
0x1a: {  	p1 =	sgt.u32 s31, $0x4  }
.Ltmp2:
0x1b: {  	_ = 	snop;
	(pc) =	sbr.rel @p1 .LBB2_7-.Ltmp2, $1  }
0x1c: {  	_ =	sdelay $0x3  }
0x1d: {  	s12 =	simm.s32 $0x1  }
0x1e: {  	s12 =	simm.s32 @!p0 $0x0  }
0x1f: {  	s13 =	smul.u32 $0x500, s12  }
0x20: {  	_ =	swait.ge [sflag:s5], $0x140  }
0x21: {  	[sflag:s5] =	ssyncset.done $0x0;
	s14 =	sshrl.u32 s13, $0x2  }
0x22: {  	[sflag:s5] =	ssyncadd.s32 $0xFFFFFEC0;
	s13 =	sadd.s32 $0x0, s14  }
0x23: {  	v0 =	vld.msk [tilespmem:s13+$0x0 ss:$0x1], $0xffff;
	_ =	sdelay $0x4  }
0x24: {  	vm2 =	vgt.s32 v0, $0x0  }
0x25: {  	v0 =	vnsel vm2, $0x0, v0  }
0x26: {  	v0 =	vmin.u32 v0, $0xF423F  }
0x27: {  	v0 =	vshll.u32 v0, $0x4  }
0x28: {  	s12 =	smul.u32 $0x28000, s12;
	_ =	sdelay $0x1  }
0x29: {  	s12 =	sshrl.u32 s12, $0x2  }
0x2a: {  	s12 =	sor.u32 $0x280, s12  }
0x2b: {  	[tilespmem:s12], [sflag:$0x1] =	stream.indirect_vreg.gather [hbm:s6], $0x80, v0, vm0, $0x38;
	[tilespmem:$0x14280] =	vst v63  }
0x2c: {  	s15 =	sadd.s32 $0x10, s14;
	s13 =	sadd.s32 $0x400, s12  }
0x2d: {  	[tilespmem:s13], [sflag:$0x1] =	stream.indirect_vreg.gather [hbm:s6], $0x80, v0, vm1, $0x38;
	[tilespmem:$0x14280] =	vst v63  }
0x2e: {  	s16 =	simm.s32 $0x80;
	v0 =	vld.msk [tilespmem:s15+$0x0 ss:$0x1], $0xffff;
	s15 =	smov.u32 s12  }
.LBB2_3:
0x2f: {  	p1 =	sne.s32 s16, $0x4C0;
	_ =	sdelay $0x4  }
0x30: {  	vm2 =	vgt.s32 v0, $0x0  }
0x31: {  	v0 =	vnsel vm2, $0x0, v0  }
0x32: {  	v0 =	vmin.u32 v0, $0xF423F  }
0x33: {  	v0 =	vshll.u32 v0, $0x4;
	_ =	sdelay $0x3  }
.Ltmp3:
0x34: {  	s17 =	sshra.s32 s16, $0x2;
	s15 =	sadd.s32 $0x800, s15;
	(pc) =	sbr.rel @p1 .LBB2_3-.Ltmp3, $4  }
0x35: {  	[tilespmem:s15], [sflag:$0x1] =	stream.indirect_vreg.gather [hbm:s6], $0x80, v0, vm0, $0x38;
	[tilespmem:$0x14280] =	vst v63  }
0x36: {  	s17 =	sadd.s32 s17, s14;
	s18 =	sadd.s32 $0x400, s15  }
0x37: {  	[tilespmem:s18], [sflag:$0x1] =	stream.indirect_vreg.gather [hbm:s6], $0x80, v0, vm1, $0x38;
	[tilespmem:$0x14280] =	vst v63  }
0x38: {  	s16 =	sadd.s32 $0x40, s16;
	v0 =	vld.msk [tilespmem:s17+$0x0 ss:$0x1], $0xffff  }
0x39: {  	_ =	sdelay $0x3  }
0x3a: {  	vm2 =	vgt.s32 v0, $0x0  }
0x3b: {  	v0 =	vnsel vm2, $0x0, v0  }
0x3c: {  	v0 =	vmin.u32 v0, $0xF423F  }
0x3d: {  	v0 =	vshll.u32 v0, $0x4;
	_ =	sdelay $0x3  }
0x3e: {  	s14 =	sadd.s32 $0x800, s15  }
0x3f: {  	[tilespmem:s14], [sflag:$0x1] =	stream.indirect_vreg.gather [hbm:s6], $0x80, v0, vm0, $0x38;
	[tilespmem:$0x14280] =	vst v63  }
0x40: {  	s14 =	sadd.s32 $0x400, s14  }
0x41: {  	[tilespmem:s14], [sflag:$0x1] =	stream.indirect_vreg.gather [hbm:s6], $0x80, v0, vm1, $0x38;
	[tilespmem:$0x14280] =	vst v63  }
0x42: {  	s11 =	sshll.u32 s11, $0x4;
	_ =	swait.ge [sflag:s3], $0xA000  }
0x43: {  	s11 =	sadd.s32 s11, s7;
	[sflag:s3] =	ssyncset.done $0x0  }
0x44: {  	s15 =	sadd.s32 $0x0, s11;
	s14 =	simm.s32 $0x80;
	[sflag:s3] =	ssyncadd.s32 $0xFFFF6000  }
.LBB2_5:
0x45: {  	[hbm:s15] =	stream.linear.scatter [tilespmem:s12], [sflag:$0x3], $0x400, $0x38;
	[tilespmem:$0x14280] =	vst v63  }
0x46: {  	s15 =	smov.u32 s14;
	s12 =	smov.u32 s13;
	p1 =	sne.s32 s14, $0x1380  }
.Ltmp4:
0x47: {  	s14 =	sadd.s32 $0x80, s14;
	(pc) =	sbr.rel @p1 .LBB2_5-.Ltmp4, $2  }
0x48: {  	_ =	sdelay $0x2  }
0x49: {  	s13 =	sadd.s32 $0x400, s13;
	s15 =	sadd.s32 s15, s11  }
.Ltmp5:
0x4a: {  	_ = 	snop;
	(pc) =	sbr.rel .LBB2_6-.Ltmp5, $1  }
0x4b: {  	_ =	sdelay $0x3  }
.LBB2_8:
0x4c: {  	_ =	sfence.sel $0x180000  }
0x4d: {  	s2 =	simm.s32 $0x2;
	[bflag:$0x0] =	sbarrier.arrive $0xFFFF  }
0x4e: {  	s30 =	simm.s32 $0x3;
	[sflag:s2] =	ssyncpa.u1 $0x1  }
0x4f: {  	s31 =	simm.s32 $0x1;
	[sflag:s30] =	ssyncpa.u1 $0x1  }
0x50: {  	[sflag:s31] =	ssyncpa.u1 $0x1  }
0x51: {  	p0 =	sne.s32 s1, $0x0;
	_ =	strace $0x90000047  }
0x52: {  	s0 =	sadd.s32 @!p0 $0x100000, s0;
	[bflag:$0x2] =	sbarrier.arrive $0xFFFF  }
0x53: {  	[sflag:s0] =	ssyncadd.tile.s32 @!p0 $0x1;
	_ =	shalt  }
.Lfunc_end2:
_tile_overlayer_lowered:
.L_overlay_start_2:
0x54: {  	(tag) =	ssettag $0x2  }
0x55: {  	s0 =	rddreg [dreg:$0x0];
	s2 =	stileid.u32  }
0x56: {  	s1 =	rddreg [dreg:$0x1];
	p0 =	sne.s32 s2, $0x0  }
0x57: {  	s3 =	rddreg [dreg:$0x2];
	[bflag:$0x3] =	sbarrier.arrive $0xFFFF;
	s2 =	simm.s32 @!p0 $0x1C01  }
0x58: {  	[timem:s3], [sflag:s2] =	dma.local @!p0 [hbm:s0], s1  }
0x59: {  	s0 =	simm.s32 @!p0 $0x1  }
0x5a: {  	_ =	swait.ge @!p0 [sflag:s0], s1  }
0x5b: {  	s1 =	ssub.s32 @!p0 $0x0, s1;
	[sflag:s0] =	ssyncset.done @!p0 $0x0  }
0x5c: {  	[sflag:s0] =	ssyncadd.s32 @!p0 s1  }
0x5d: {  	[bflag:$0x3] =	sbarrier.arrive $0xFFFF  }
0x5e: {  	_ =	shalt  }

</sc_bundles>
